<compile_context>
chip_gen: v7x
topology: tpu7x:2x2x1
jax: 0.10.2.dev20260603
libtpu: 0.0.44.dev20260713+nightly
codegen_flags: <defaults>
</compile_context>

<pallas_src>
import functools

import jax
import jax.numpy as jnp
from jax import lax
from jax.experimental import pallas as pl
from jax.experimental.pallas import tpu as pltpu
from jax.experimental.pallas import tpu_sc as plsc

NUM_EMB = 8192
CODE_DIM = 256
EMB_DIM = 768
KB = 2048
NKB = NUM_EMB // KB
LANES = 128
NCH = KB // LANES
RB = 8
IMAX = 2**31 - 1

_NC = 2
_NS = 16
_NW = _NC * _NS


def _ct(a, b):
    return lax.dot_general(a, b, (((1,), (1,)), ((), ())),
                           preferred_element_type=jnp.float32)


def _layer_norm(x, g, b, eps=1e-5):
    mu = jnp.mean(x, axis=1, keepdims=True)
    var = jnp.mean((x - mu) ** 2, axis=1, keepdims=True)
    return (x - mu) / jnp.sqrt(var + eps) * g + b


def _mega_body(y_ref, f_ref, w1_ref, b1_ref, w2_ref, b2_ref, g_ref, bb_ref,
               cb_ref, ei_ref, gi_ref, enc_ref,
               h_ref, hh_ref, rmin_ref, rarg_ref, rprev_ref, *, T, B):
    b = pl.program_id(0)
    ph = pl.program_id(1)

    @pl.when((ph == 0) & (b > 0))
    def _emit_prev():
        ei_ref[0] = rarg_ref[...]
        gi_ref[0] = rarg_ref[...] + y_ref[b - 1] * NUM_EMB
        rprev_ref[...] = rarg_ref[...]

    @pl.when((ph == 0) & (b < B))
    def _proj_in():
        x = f_ref[0]
        h1 = jnp.maximum(_ct(x, w1_ref[...]) + b1_ref[...], 0.0)
        h2 = _ct(h1, w2_ref[...]) + b2_ref[...]
        h = _layer_norm(h2, g_ref[...], bb_ref[...])
        h_ref[...] = h
        hh_ref[...] = jnp.sum(h * h, axis=1, keepdims=True)
        rmin_ref[...] = jnp.full((T, 1), jnp.inf, jnp.float32)

    @pl.when((ph >= 1) & (b < B))
    def _argmin():
        kb = ph - 1
        cb = cb_ref[0]
        cc = jnp.sum(cb * cb, axis=1, keepdims=True).T
        s = _ct(h_ref[...], cb)
        d2 = (hh_ref[...] + cc) - 2.0 * s
        iota = lax.broadcasted_iota(jnp.int32, (T, KB), 1) + kb * KB
        bmin = jnp.min(d2, axis=1, keepdims=True)
        barg = jnp.min(jnp.where(d2 == bmin, iota, IMAX),
                       axis=1, keepdims=True)
        pm = rmin_ref[...]
        better = bmin < pm
        rarg_ref[...] = jnp.where(better, barg, rarg_ref[...])
        rmin_ref[...] = jnp.where(better, bmin, pm)

    @pl.when((ph >= 1) & (b > 0))
    def _enc():
        kb = ph - 1
        iota = lax.broadcasted_iota(jnp.int32, (T, KB), 1) + kb * KB
        enc_ref[0] = jnp.where(rprev_ref[...] == iota,
                               jnp.float32(1.0), jnp.float32(0.0))


def _proj_out_body(q_ref, w1_ref, b1_ref, w2_ref, b2_ref, g_ref, bb_ref, o_ref):
    q = q_ref[0]
    r1 = jnp.maximum(_ct(q, w1_ref[...]) + b1_ref[...], 0.0)
    r2 = _ct(r1, w2_ref[...]) + b2_ref[...]
    o_ref[0] = _layer_norm(r2, g_ref[...], bb_ref[...])


def _make_sc_gather(n_rows, d):
    bpw = n_rows // _NW
    mesh = plsc.VectorSubcoreMesh(core_axis_name="c", subcore_axis_name="s")

    @functools.partial(
        pl.kernel, mesh=mesh,
        out_type=jax.ShapeDtypeStruct((n_rows, d), jnp.float32),
        scratch_types=[
            pltpu.VMEM((bpw,), jnp.int32),
            pltpu.VMEM((bpw, d), jnp.float32),
            pltpu.SemaphoreType.DMA,
        ],
    )
    def gather_k(table_hbm, idx_hbm, out_hbm, idx_v, rows_v, sem):
        wid = lax.axis_index("s") * _NC + lax.axis_index("c")
        base = wid * bpw
        pltpu.sync_copy(idx_hbm.at[pl.ds(base, bpw)], idx_v)
        pltpu.async_copy(table_hbm.at[idx_v], rows_v, sem).wait()
        pltpu.sync_copy(rows_v, out_hbm.at[pl.ds(base, bpw)])

    return gather_k


def kernel(features, y, codebooks, Win1, bin1, Win2, bin2, g_in, b_in,
           Wout1, bout1, Wout2, bout2, g_out, b_out):
    B, C, H, W = features.shape
    T = H * W
    f = features.reshape(B, C, T).transpose(0, 2, 1)

    bin1_2 = bin1.reshape(1, -1)
    bin2_2 = bin2.reshape(1, -1)
    g_in_2 = g_in.reshape(1, -1)
    b_in_2 = b_in.reshape(1, -1)
    bout1_2 = bout1.reshape(1, -1)
    bout2_2 = bout2.reshape(1, -1)
    g_out_2 = g_out.reshape(1, -1)
    b_out_2 = b_out.reshape(1, -1)

    nsteps = 1 + NKB
    ei3, gi3, enc = pl.pallas_call(
        functools.partial(_mega_body, T=T, B=B),
        grid_spec=pltpu.PrefetchScalarGridSpec(
            num_scalar_prefetch=1,
            grid=(B + 1, nsteps),
            in_specs=[
                pl.BlockSpec((1, T, C),
                             lambda b, ph, y_r: (jnp.clip(b, 0, B - 1), 0, 0)),
                pl.BlockSpec((C, C), lambda b, ph, y_r: (0, 0)),
                pl.BlockSpec((1, C), lambda b, ph, y_r: (0, 0)),
                pl.BlockSpec((CODE_DIM, C), lambda b, ph, y_r: (0, 0)),
                pl.BlockSpec((1, CODE_DIM), lambda b, ph, y_r: (0, 0)),
                pl.BlockSpec((1, CODE_DIM), lambda b, ph, y_r: (0, 0)),
                pl.BlockSpec((1, CODE_DIM), lambda b, ph, y_r: (0, 0)),
                pl.BlockSpec((1, KB, CODE_DIM),
                             lambda b, ph, y_r: (y_r[jnp.clip(b, 0, B - 1)],
                                                 jnp.clip(ph - 1, 0, NKB - 1),
                                                 0)),
            ],
            out_specs=[
                pl.BlockSpec((1, T, 1),
                             lambda b, ph, y_r: (jnp.clip(b - 1, 0, B - 1),
                                                 0, 0)),
                pl.BlockSpec((1, T, 1),
                             lambda b, ph, y_r: (jnp.clip(b - 1, 0, B - 1),
                                                 0, 0)),
                pl.BlockSpec((1, T, KB),
                             lambda b, ph, y_r: (jnp.clip(b - 1, 0, B - 1), 0,
                                                 jnp.where(
                                                     b == 0, 0,
                                                     jnp.clip(ph - 1, 0,
                                                              NKB - 1)))),
            ],
            scratch_shapes=[
                pltpu.VMEM((T, CODE_DIM), jnp.float32),
                pltpu.VMEM((T, 1), jnp.float32),
                pltpu.VMEM((T, 1), jnp.float32),
                pltpu.VMEM((T, 1), jnp.int32),
                pltpu.VMEM((T, 1), jnp.int32),
            ],
        ),
        out_shape=[
            jax.ShapeDtypeStruct((B, T, 1), jnp.int32),
            jax.ShapeDtypeStruct((B, T, 1), jnp.int32),
            jax.ShapeDtypeStruct((B, T, NUM_EMB), jnp.float32),
        ],
    )(y.astype(jnp.int32), f, Win1, bin1_2, Win2, bin2_2, g_in_2, b_in_2,
      codebooks)

    gidx = gi3.reshape(-1)
    table = codebooks.reshape(-1, CODE_DIM)
    q = _make_sc_gather(B * T, CODE_DIM)(table, gidx)

    quant = pl.pallas_call(
        _proj_out_body,
        grid=(B,),
        in_specs=[
            pl.BlockSpec((1, T, CODE_DIM), lambda b: (b, 0, 0)),
            pl.BlockSpec((C, CODE_DIM), lambda b: (0, 0)),
            pl.BlockSpec((1, C), lambda b: (0, 0)),
            pl.BlockSpec((C, C), lambda b: (0, 0)),
            pl.BlockSpec((1, C), lambda b: (0, 0)),
            pl.BlockSpec((1, C), lambda b: (0, 0)),
            pl.BlockSpec((1, C), lambda b: (0, 0)),
        ],
        out_specs=pl.BlockSpec((1, T, C), lambda b: (b, 0, 0)),
        out_shape=jax.ShapeDtypeStruct((B, T, C), jnp.float32),
    )(q.reshape(B, T, CODE_DIM), Wout1, bout1_2, Wout2, bout2_2, g_out_2,
      b_out_2)

    return (quant, ei3.reshape(-1, 1), enc)

# --- scband reference (transcript-rebuilt; emitter-appended) ---
"""Pipeline reference for scband-base-vector-quantizer-29334626631742 (READ-ONLY COPY).

The authoritative reference and input builder live on the scoring server;
editing this copy changes nothing except your own understanding.
"""

import jax, jax.numpy as jnp
import numpy as np

NUM_EMB = 8192
EMB_DIM = 768
CODE_DIM = 256
NCLASSES = 4
B = 8
H = 24
W = 24


def layer_norm(x, g, b, eps=1e-5):
    mu = jnp.mean(x, axis=-1, keepdims=True)
    var = jnp.var(x, axis=-1, keepdims=True)
    return (x - mu) / jnp.sqrt(var + eps) * g + b


def setup_inputs(seed: int = 0):
    key = jax.random.key(seed)
    ks = jax.random.split(key, 8)
    inp = {}
    inp['features'] = jax.random.normal(ks[0], (B, EMB_DIM, H, W), dtype=jnp.float32)
    inp['y'] = jax.random.randint(ks[1], (B,), 0, NCLASSES)
    inp['codebooks'] = jax.random.normal(ks[2], (NCLASSES, NUM_EMB, CODE_DIM), dtype=jnp.float32) * 0.02
    inp['Win1'] = jax.random.normal(ks[3], (EMB_DIM, EMB_DIM), dtype=jnp.float32) * (1.0 / np.sqrt(EMB_DIM))
    inp['bin1'] = jnp.zeros((EMB_DIM,), dtype=jnp.float32)
    inp['Win2'] = jax.random.normal(ks[4], (CODE_DIM, EMB_DIM), dtype=jnp.float32) * (1.0 / np.sqrt(EMB_DIM))
    inp['bin2'] = jnp.zeros((CODE_DIM,), dtype=jnp.float32)
    inp['g_in'] = jnp.ones((CODE_DIM,), dtype=jnp.float32)
    inp['b_in'] = jnp.zeros((CODE_DIM,), dtype=jnp.float32)
    inp['Wout1'] = jax.random.normal(ks[5], (EMB_DIM, CODE_DIM), dtype=jnp.float32) * (1.0 / np.sqrt(CODE_DIM))
    inp['bout1'] = jnp.zeros((EMB_DIM,), dtype=jnp.float32)
    inp['Wout2'] = jax.random.normal(ks[6], (EMB_DIM, EMB_DIM), dtype=jnp.float32) * (1.0 / np.sqrt(EMB_DIM))
    inp['bout2'] = jnp.zeros((EMB_DIM,), dtype=jnp.float32)
    inp['g_out'] = jnp.ones((EMB_DIM,), dtype=jnp.float32)
    inp['b_out'] = jnp.zeros((EMB_DIM,), dtype=jnp.float32)
    return inp


def reference(features, y, codebooks, Win1, bin1, Win2, bin2, g_in, b_in, Wout1, bout1, Wout2, bout2, g_out, b_out):
    # BaseVectorQuantizer.sample(features, y) with quantize='spatial', gumble=False, cosine=False
    Bv, C, Hv, Wv = features.shape
    f = features.reshape(Bv, C, Hv * Wv).transpose(0, 2, 1)  # [B, T, d_model]
    T = f.shape[1]
    # project_in: Linear(d,d) + ReLU + Linear(d, code_dim), then LayerNorm(code_dim)
    h = jax.nn.relu(jnp.dot(f, Win1.T) + bin1)
    h = jnp.dot(h, Win2.T) + bin2
    h = layer_norm(h, g_in, b_in)
    cb = codebooks[y]  # [B, NUM_EMB, CODE_DIM]
    # euclidean distances [B, T, K]
    d2 = (jnp.sum(h * h, axis=2, keepdims=True)
          + jnp.sum(cb * cb, axis=2)[:, None, :]
          - 2.0 * jnp.einsum('btc,bkc->btk', h, cb))
    ei = jnp.argmin(d2, axis=2)  # [B, T]
    enc = jax.nn.one_hot(ei, NUM_EMB, dtype=h.dtype)  # [B, T, NUM_EMB]
    q = jnp.einsum('btk,bkc->btc', enc, cb)  # [B, T, CODE_DIM]
    # project_out: Linear(code_dim,d) + ReLU + Linear(d,d), then LayerNorm(d)
    q = jax.nn.relu(jnp.dot(q, Wout1.T) + bout1)
    q = jnp.dot(q, Wout2.T) + bout2
    q = layer_norm(q, g_out, b_out)
    quantized = q
    enc_idx = ei.reshape(Bv, T, 1).astype(jnp.int32)
    encodings = enc.reshape(Bv, T, NUM_EMB)
    encoding_indices = enc_idx.reshape(-1, 1)
    return (quantized, encoding_indices, encodings)

if __name__ == "__main__":
    import jax
    _d = setup_inputs()
    print(jax.jit(kernel)(*tuple(_d.values())))

</pallas_src>

<mosaic_0001>
#map = affine_map<(d0, d1) -> (0, 0)>
#map1 = affine_map<(d0, d1) -> (0)>
module attributes {stable_mosaic.version = 14 : i64} {
  func.func @gather_k(%arg0: i32, %arg1: i32, %arg2: memref<32768x256xf32, #tpu.memory_space<hbm>>, %arg3: memref<4608xi32, #tpu.memory_space<hbm>>, %arg4: memref<4608x256xf32, #tpu.memory_space<hbm>>, %arg5: memref<144xi32, #tpu.memory_space<vmem>>, %arg6: memref<144x256xf32, #tpu.memory_space<vmem>>, %arg7: memref<!tpu.dma_semaphore, #tpu.memory_space<semaphore_mem>>) attributes {dimension_semantics = [#tpu.dimension_semantics<core_parallel>, #tpu.dimension_semantics<subcore_parallel>], iteration_bounds = array<i64: 2, 16>, scalar_prefetch = 0 : i64, scratch_operands = 3 : i64, tpu.core_type = #tpu.core_type<sc_vector_subcore>, window_params = [{transform_indices = #map}, {transform_indices = #map1}, {transform_indices = #map}]} {
    %mul3A = arith.constant 2 : i32
    %mul3A_0 = arith.muli %arg1, %mul3A : i32
    %add3A = arith.addi %mul3A_0, %arg0 : i32
    %mul3A_1 = arith.constant 144 : i32
    %mul3A_2 = arith.muli %add3A, %mul3A_1 : i32
    "tpu.region"() ({
      %run_scoped3A = tpu.sem_alloc : memref<!tpu.dma_semaphore, #tpu.memory_space<semaphore_mem>>
      %dma_start3A_7 = tpu.memref_slice %arg3[%mul3A_2] : memref<4608xi32, #tpu.memory_space<hbm>> -> memref<144xi32, #tpu.memory_space<hbm>>
      %dma_start3A_8 = tpu.memref_slice %arg3[%mul3A_2] : memref<4608xi32, #tpu.memory_space<hbm>> -> memref<144xi32, #tpu.memory_space<hbm>>
      tpu.enqueue_dma source(%dma_start3A_8 : memref<144xi32, #tpu.memory_space<hbm>>) target(%arg5 : memref<144xi32, #tpu.memory_space<vmem>>) target_semaphore(%run_scoped3A : memref<!tpu.dma_semaphore, #tpu.memory_space<semaphore_mem>>)
      %dma_wait3A_9 = tpu.memref_slice %arg3[%mul3A_2] : memref<4608xi32, #tpu.memory_space<hbm>> -> memref<144xi32, #tpu.memory_space<hbm>>
      %dma_wait3A_10 = tpu.memref_slice %arg3[%mul3A_2] : memref<4608xi32, #tpu.memory_space<hbm>> -> memref<144xi32, #tpu.memory_space<hbm>>
      tpu.wait_dma2 semaphore(%run_scoped3A : memref<!tpu.dma_semaphore, #tpu.memory_space<semaphore_mem>>) src(%dma_wait3A_10 : memref<144xi32, #tpu.memory_space<hbm>>) dst(%arg5 : memref<144xi32, #tpu.memory_space<vmem>>)
      tpu.yield
    }) : () -> ()
    %dma_start3A = arith.constant 0 : i32
    %dma_start3A_3 = arith.constant 0 : i32
    %dma_start3A_4 = tpu.memref_slice %arg2[%dma_start3A, %dma_start3A_3] : memref<32768x256xf32, #tpu.memory_space<hbm>> -> memref<32768x256xf32, #tpu.memory_space<hbm>>
    tpu.enqueue_indirect_dma source(%dma_start3A_4 : memref<32768x256xf32, #tpu.memory_space<hbm>>) target(%arg6 : memref<144x256xf32, #tpu.memory_space<vmem>>) offsets(%arg5 : memref<144xi32, #tpu.memory_space<vmem>>) semaphore(%arg7 : memref<!tpu.dma_semaphore, #tpu.memory_space<semaphore_mem>>)
    %dma_wait3A = arith.constant 0 : i32
    %dma_wait3A_5 = arith.constant 0 : i32
    %dma_wait3A_6 = tpu.memref_slice %arg2[%dma_wait3A, %dma_wait3A_5] : memref<32768x256xf32, #tpu.memory_space<hbm>> -> memref<32768x256xf32, #tpu.memory_space<hbm>>
    tpu.wait_indirect_dma semaphore(%arg7 : memref<!tpu.dma_semaphore, #tpu.memory_space<semaphore_mem>>) src(%dma_wait3A_6 : memref<32768x256xf32, #tpu.memory_space<hbm>>) dst(%arg6 : memref<144x256xf32, #tpu.memory_space<vmem>>)
    "tpu.region"() ({
      %run_scoped3A = tpu.sem_alloc : memref<!tpu.dma_semaphore, #tpu.memory_space<semaphore_mem>>
      %dma_start3A_7 = arith.constant 0 : i32
      %dma_start3A_8 = tpu.memref_slice %arg4[%mul3A_2, %dma_start3A_7] : memref<4608x256xf32, #tpu.memory_space<hbm>> -> memref<144x256xf32, #tpu.memory_space<hbm>>
      %dma_start3A_9 = arith.constant 0 : i32
      %dma_start3A_10 = tpu.memref_slice %arg4[%mul3A_2, %dma_start3A_9] : memref<4608x256xf32, #tpu.memory_space<hbm>> -> memref<144x256xf32, #tpu.memory_space<hbm>>
      tpu.enqueue_dma source(%arg6 : memref<144x256xf32, #tpu.memory_space<vmem>>) target(%dma_start3A_10 : memref<144x256xf32, #tpu.memory_space<hbm>>) target_semaphore(%run_scoped3A : memref<!tpu.dma_semaphore, #tpu.memory_space<semaphore_mem>>)
      %dma_wait3A_11 = arith.constant 0 : i32
      %dma_wait3A_12 = tpu.memref_slice %arg4[%mul3A_2, %dma_wait3A_11] : memref<4608x256xf32, #tpu.memory_space<hbm>> -> memref<144x256xf32, #tpu.memory_space<hbm>>
      %dma_wait3A_13 = arith.constant 0 : i32
      %dma_wait3A_14 = tpu.memref_slice %arg4[%mul3A_2, %dma_wait3A_13] : memref<4608x256xf32, #tpu.memory_space<hbm>> -> memref<144x256xf32, #tpu.memory_space<hbm>>
      tpu.wait_dma2 semaphore(%run_scoped3A : memref<!tpu.dma_semaphore, #tpu.memory_space<semaphore_mem>>) src(%arg6 : memref<144x256xf32, #tpu.memory_space<vmem>>) dst(%dma_wait3A_14 : memref<144x256xf32, #tpu.memory_space<hbm>>)
      tpu.yield
    }) : () -> ()
    return
  }
}

module attributes {stable_mosaic.version = 14 : i64} {
  func.func @_mega_body(%arg0: i32, %arg1: i32, %arg2: memref<8xi32, #tpu.memory_space<smem>>, %arg3: memref<1x576x768xf32, #tpu.memory_space<vmem>>, %arg4: memref<768x768xf32, #tpu.memory_space<vmem>>, %arg5: memref<1x768xf32, #tpu.memory_space<vmem>>, %arg6: memref<256x768xf32, #tpu.memory_space<vmem>>, %arg7: memref<1x256xf32, #tpu.memory_space<vmem>>, %arg8: memref<1x256xf32, #tpu.memory_space<vmem>>, %arg9: memref<1x256xf32, #tpu.memory_space<vmem>>, %arg10: memref<1x2048x256xf32, #tpu.memory_space<vmem>>, %arg11: memref<1x576x1xi32, #tpu.memory_space<vmem>>, %arg12: memref<1x576x1xi32, #tpu.memory_space<vmem>>, %arg13: memref<1x576x2048xf32, #tpu.memory_space<vmem>>, %arg14: memref<576x256xf32, #tpu.memory_space<vmem>>, %arg15: memref<576x1xf32, #tpu.memory_space<vmem>>, %arg16: memref<576x1xf32, #tpu.memory_space<vmem>>, %arg17: memref<576x1xi32, #tpu.memory_space<vmem>>, %arg18: memref<576x1xi32, #tpu.memory_space<vmem>>) attributes {dimension_semantics = [#tpu.dimension_semantics<arbitrary>, #tpu.dimension_semantics<arbitrary>], iteration_bounds = array<i64: 9, 5>, scalar_prefetch = 1 : i64, scratch_operands = 5 : i64, tpu.core_type = #tpu.core_type<tc>, window_params = [{transform_indices = @transform_0, window_bounds = array<i64: 1, 576, 768>}, {pipeline_mode = #tpu.pipeline_mode<synchronous>, transform_indices = @transform_1, window_bounds = array<i64: 768, 768>}, {pipeline_mode = #tpu.pipeline_mode<synchronous>, transform_indices = @transform_2, window_bounds = array<i64: 1, 768>}, {pipeline_mode = #tpu.pipeline_mode<synchronous>, transform_indices = @transform_3, window_bounds = array<i64: 256, 768>}, {pipeline_mode = #tpu.pipeline_mode<synchronous>, transform_indices = @transform_4, window_bounds = array<i64: 1, 256>}, {pipeline_mode = #tpu.pipeline_mode<synchronous>, transform_indices = @transform_5, window_bounds = array<i64: 1, 256>}, {pipeline_mode = #tpu.pipeline_mode<synchronous>, transform_indices = @transform_6, window_bounds = array<i64: 1, 256>}, {transform_indices = @transform_7, window_bounds = array<i64: 1, 2048, 256>}, {transform_indices = @transform_8, window_bounds = array<i64: 1, 576, 1>}, {transform_indices = @transform_9, window_bounds = array<i64: 1, 576, 1>}, {transform_indices = @transform_10, window_bounds = array<i64: 1, 576, 2048>}]} {
    %eq3A = arith.constant 0 : i32
    %eq3A_0 = arith.cmpi eq, %arg1, %eq3A : i32
    %gt3A = arith.constant 0 : i32
    %gt3A_1 = arith.cmpi sgt, %arg0, %gt3A : i32
    %and3A = arith.andi %eq3A_0, %gt3A_1 : i1
    %convert_element_type3A = arith.extui %and3A : i1 to i32
    %cond3A = arith.constant 0 : i32
    %cond3A_2 = arith.cmpi ne, %convert_element_type3A, %cond3A : i32
    scf.if %cond3A_2 {
      %get3A = arith.constant 0 : index
      %get3A_25 = arith.constant 0 : index
      %get3A_26 = vector.load %arg17[%get3A, %get3A_25] : memref<576x1xi32, #tpu.memory_space<vmem>>, vector<576x1xi32>
      %swap3A = arith.constant 0 : index
      %swap3A_27 = arith.constant 0 : index
      %swap3A_28 = arith.constant 0 : index
      %swap3A_29 = vector.load %arg11[%swap3A, %swap3A_27, %swap3A_28] : memref<1x576x1xi32, #tpu.memory_space<vmem>>, vector<1x576x1xi32>
      %swap3A_30 = vector.shape_cast %swap3A_29 : vector<1x576x1xi32> to vector<576x1xi32>
      %swap3A_31 = vector.shape_cast %get3A_26 : vector<576x1xi32> to vector<1x576x1xi32>
      tpu.vector_store %arg11[%swap3A, %swap3A_27, %swap3A_28], %swap3A_31 {strides = array<i32>} : memref<1x576x1xi32, #tpu.memory_space<vmem>>, vector<1x576x1xi32>,
      %get3A_32 = arith.constant 0 : index
      %get3A_33 = arith.constant 0 : index
      %get3A_34 = vector.load %arg17[%get3A_32, %get3A_33] : memref<576x1xi32, #tpu.memory_space<vmem>>, vector<576x1xi32>
      %sub3A = arith.constant 1 : i32
      %sub3A_35 = arith.subi %arg0, %sub3A : i32
      %get3A_36 = arith.index_cast %sub3A_35 : i32 to index
      %get3A_37 = memref.load %arg2[%get3A_36] : memref<8xi32, #tpu.memory_space<smem>>
      %mul3A = arith.constant 8192 : i32
      %mul3A_38 = arith.muli %get3A_37, %mul3A : i32
      %add3A = vector.broadcast %mul3A_38 : i32 to vector<576x1xi32>
      %add3A_39 = arith.addi %get3A_34, %add3A : vector<576x1xi32>
      %swap3A_40 = arith.constant 0 : index
      %swap3A_41 = arith.constant 0 : index
      %swap3A_42 = arith.constant 0 : index
      %swap3A_43 = vector.load %arg12[%swap3A_40, %swap3A_41, %swap3A_42] : memref<1x576x1xi32, #tpu.memory_space<vmem>>, vector<1x576x1xi32>
      %swap3A_44 = vector.shape_cast %swap3A_43 : vector<1x576x1xi32> to vector<576x1xi32>
      %swap3A_45 = vector.shape_cast %add3A_39 : vector<576x1xi32> to vector<1x576x1xi32>
      tpu.vector_store %arg12[%swap3A_40, %swap3A_41, %swap3A_42], %swap3A_45 {strides = array<i32>} : memref<1x576x1xi32, #tpu.memory_space<vmem>>, vector<1x576x1xi32>,
      %get3A_46 = arith.constant 0 : index
      %get3A_47 = arith.constant 0 : index
      %get3A_48 = vector.load %arg17[%get3A_46, %get3A_47] : memref<576x1xi32, #tpu.memory_space<vmem>>, vector<576x1xi32>
      %swap3A_49 = arith.constant 0 : index
      %swap3A_50 = arith.constant 0 : index
      %swap3A_51 = vector.load %arg18[%swap3A_49, %swap3A_50] : memref<576x1xi32, #tpu.memory_space<vmem>>, vector<576x1xi32>
      tpu.vector_store %arg18[%swap3A_49, %swap3A_50], %get3A_48 {strides = array<i32>} : memref<576x1xi32, #tpu.memory_space<vmem>>, vector<576x1xi32>,
    } else {
    }
    %eq3A_3 = arith.constant 0 : i32
    %eq3A_4 = arith.cmpi eq, %arg1, %eq3A_3 : i32
    %lt3A = arith.constant 8 : i32
    %lt3A_5 = arith.cmpi slt, %arg0, %lt3A : i32
    %and3A_6 = arith.andi %eq3A_4, %lt3A_5 : i1
    %convert_element_type3A_7 = arith.extui %and3A_6 : i1 to i32
    %cond3A_8 = arith.constant 0 : i32
    %cond3A_9 = arith.cmpi ne, %convert_element_type3A_7, %cond3A_8 : i32
    scf.if %cond3A_9 {
      %get3A = arith.constant 0 : index
      %get3A_25 = arith.constant 0 : index
      %get3A_26 = arith.constant 0 : index
      %get3A_27 = vector.load %arg3[%get3A, %get3A_25, %get3A_26] : memref<1x576x768xf32, #tpu.memory_space<vmem>>, vector<1x576x768xf32>
      %get3A_28 = vector.shape_cast %get3A_27 : vector<1x576x768xf32> to vector<576x768xf32>
      %get3A_29 = arith.constant 0 : index
      %get3A_30 = arith.constant 0 : index
      %get3A_31 = vector.load %arg4[%get3A_29, %get3A_30] : memref<768x768xf32, #tpu.memory_space<vmem>>, vector<768x768xf32>
      %dot_general3A = arith.constant dense<0.000000e+00> : vector<576x768xf32>
      %dot_general3A_32 = tpu.matmul %get3A_28, %get3A_31, %dot_general3A {dimension_numbers = #tpu.dot_dimension_numbers<[1], [1], [0], [0], [0, 0, 1, 0], [], []>, transpose_lhs_hint = false} : vector<576x768xf32>, vector<768x768xf32>, vector<576x768xf32> -> vector<576x768xf32>
      %get3A_33 = arith.constant 0 : index
      %get3A_34 = arith.constant 0 : index
      %get3A_35 = vector.load %arg5[%get3A_33, %get3A_34] : memref<1x768xf32, #tpu.memory_space<vmem>>, vector<1x768xf32>
      %add3A = vector.broadcast %get3A_35 : vector<1x768xf32> to vector<576x768xf32>
      %add3A_36 = arith.addf %dot_general3A_32, %add3A : vector<576x768xf32>
      %max3A = arith.constant 0.000000e+00 : f32
      %max3A_37 = vector.broadcast %max3A : f32 to vector<576x768xf32>
      %max3A_38 = arith.maximumf %add3A_36, %max3A_37 : vector<576x768xf32>
      %get3A_39 = arith.constant 0 : index
      %get3A_40 = arith.constant 0 : index
      %get3A_41 = vector.load %arg6[%get3A_39, %get3A_40] : memref<256x768xf32, #tpu.memory_space<vmem>>, vector<256x768xf32>
      %dot_general3A_42 = arith.constant dense<0.000000e+00> : vector<576x256xf32>
      %dot_general3A_43 = tpu.matmul %max3A_38, %get3A_41, %dot_general3A_42 {dimension_numbers = #tpu.dot_dimension_numbers<[1], [1], [0], [0], [0, 0, 1, 0], [], []>, transpose_lhs_hint = false} : vector<576x768xf32>, vector<256x768xf32>, vector<576x256xf32> -> vector<576x256xf32>
      %get3A_44 = arith.constant 0 : index
      %get3A_45 = arith.constant 0 : index
      %get3A_46 = vector.load %arg7[%get3A_44, %get3A_45] : memref<1x256xf32, #tpu.memory_space<vmem>>, vector<1x256xf32>
      %add3A_47 = vector.broadcast %get3A_46 : vector<1x256xf32> to vector<576x256xf32>
      %add3A_48 = arith.addf %dot_general3A_43, %add3A_47 : vector<576x256xf32>
      %get3A_49 = arith.constant 0 : index
      %get3A_50 = arith.constant 0 : index
      %get3A_51 = vector.load %arg8[%get3A_49, %get3A_50] : memref<1x256xf32, #tpu.memory_space<vmem>>, vector<1x256xf32>
      %get3A_52 = arith.constant 0 : index
      %get3A_53 = arith.constant 0 : index
      %get3A_54 = vector.load %arg9[%get3A_52, %get3A_53] : memref<1x256xf32, #tpu.memory_space<vmem>>, vector<1x256xf32>
      %reduce_sum3A = arith.constant dense<0.000000e+00> : vector<576xf32>
      %reduce_sum3A_55 = vector.multi_reduction <add>, %add3A_48, %reduce_sum3A [1] : vector<576x256xf32> to vector<576xf32>
      %broadcast_in_dim3A = vector.shape_cast %reduce_sum3A_55 : vector<576xf32> to vector<576x1xf32>
      %div3A = arith.constant 2.560000e+02 : f32
      %div3A_56 = vector.broadcast %div3A : f32 to vector<576x1xf32>
      %div3A_57 = arith.divf %broadcast_in_dim3A, %div3A_56 : vector<576x1xf32>
      %sub3A = vector.broadcast %div3A_57 : vector<576x1xf32> to vector<576x256xf32>
      %sub3A_58 = arith.subf %add3A_48, %sub3A : vector<576x256xf32>
      %integer_pow3A = arith.mulf %sub3A_58, %sub3A_58 : vector<576x256xf32>
      %reduce_sum3A_59 = arith.constant dense<0.000000e+00> : vector<576xf32>
      %reduce_sum3A_60 = vector.multi_reduction <add>, %integer_pow3A, %reduce_sum3A_59 [1] : vector<576x256xf32> to vector<576xf32>
      %broadcast_in_dim3A_61 = vector.shape_cast %reduce_sum3A_60 : vector<576xf32> to vector<576x1xf32>
      %div3A_62 = arith.constant 2.560000e+02 : f32
      %div3A_63 = vector.broadcast %div3A_62 : f32 to vector<576x1xf32>
      %div3A_64 = arith.divf %broadcast_in_dim3A_61, %div3A_63 : vector<576x1xf32>
      %sub3A_65 = vector.broadcast %div3A_57 : vector<576x1xf32> to vector<576x256xf32>
      %sub3A_66 = arith.subf %add3A_48, %sub3A_65 : vector<576x256xf32>
      %add3A_67 = arith.constant 9.99999974E-6 : f32
      %add3A_68 = vector.broadcast %add3A_67 : f32 to vector<576x1xf32>
      %add3A_69 = arith.addf %div3A_64, %add3A_68 : vector<576x1xf32>
      %sqrt3A = math.sqrt %add3A_69 : vector<576x1xf32>
      %div3A_70 = vector.broadcast %sqrt3A : vector<576x1xf32> to vector<576x256xf32>
      %div3A_71 = arith.divf %sub3A_66, %div3A_70 : vector<576x256xf32>
      %mul3A = vector.broadcast %get3A_51 : vector<1x256xf32> to vector<576x256xf32>
      %mul3A_72 = arith.mulf %div3A_71, %mul3A : vector<576x256xf32>
      %add3A_73 = vector.broadcast %get3A_54 : vector<1x256xf32> to vector<576x256xf32>
      %add3A_74 = arith.addf %mul3A_72, %add3A_73 : vector<576x256xf32>
      %swap3A = arith.constant 0 : index
      %swap3A_75 = arith.constant 0 : index
      %swap3A_76 = vector.load %arg14[%swap3A, %swap3A_75] : memref<576x256xf32, #tpu.memory_space<vmem>>, vector<576x256xf32>
      tpu.vector_store %arg14[%swap3A, %swap3A_75], %add3A_74 {strides = array<i32>} : memref<576x256xf32, #tpu.memory_space<vmem>>, vector<576x256xf32>,
      %mul3A_77 = arith.mulf %add3A_74, %add3A_74 : vector<576x256xf32>
      %reduce_sum3A_78 = arith.constant dense<0.000000e+00> : vector<576xf32>
      %reduce_sum3A_79 = vector.multi_reduction <add>, %mul3A_77, %reduce_sum3A_78 [1] : vector<576x256xf32> to vector<576xf32>
      %broadcast_in_dim3A_80 = vector.shape_cast %reduce_sum3A_79 : vector<576xf32> to vector<576x1xf32>
      %swap3A_81 = arith.constant 0 : index
      %swap3A_82 = arith.constant 0 : index
      %swap3A_83 = vector.load %arg15[%swap3A_81, %swap3A_82] : memref<576x1xf32, #tpu.memory_space<vmem>>, vector<576x1xf32>
      tpu.vector_store %arg15[%swap3A_81, %swap3A_82], %broadcast_in_dim3A_80 {strides = array<i32>} : memref<576x1xf32, #tpu.memory_space<vmem>>, vector<576x1xf32>,
      %broadcast_in_dim3A_84 = arith.constant 0x7F800000 : f32
      %broadcast_in_dim3A_85 = vector.broadcast %broadcast_in_dim3A_84 : f32 to vector<576x1xf32>
      %swap3A_86 = arith.constant 0 : index
      %swap3A_87 = arith.constant 0 : index
      %swap3A_88 = vector.load %arg16[%swap3A_86, %swap3A_87] : memref<576x1xf32, #tpu.memory_space<vmem>>, vector<576x1xf32>
      tpu.vector_store %arg16[%swap3A_86, %swap3A_87], %broadcast_in_dim3A_85 {strides = array<i32>} : memref<576x1xf32, #tpu.memory_space<vmem>>, vector<576x1xf32>,
    } else {
    }
    %ge3A = arith.constant 1 : i32
    %ge3A_10 = arith.cmpi sge, %arg1, %ge3A : i32
    %lt3A_11 = arith.constant 8 : i32
    %lt3A_12 = arith.cmpi slt, %arg0, %lt3A_11 : i32
    %and3A_13 = arith.andi %ge3A_10, %lt3A_12 : i1
    %convert_element_type3A_14 = arith.extui %and3A_13 : i1 to i32
    %cond3A_15 = arith.constant 0 : i32
    %cond3A_16 = arith.cmpi ne, %convert_element_type3A_14, %cond3A_15 : i32
    scf.if %cond3A_16 {
      %sub3A = arith.constant 1 : i32
      %sub3A_25 = arith.subi %arg1, %sub3A : i32
      %get3A = arith.constant 0 : index
      %get3A_26 = arith.constant 0 : index
      %get3A_27 = arith.constant 0 : index
      %get3A_28 = vector.load %arg10[%get3A, %get3A_26, %get3A_27] : memref<1x2048x256xf32, #tpu.memory_space<vmem>>, vector<1x2048x256xf32>
      %get3A_29 = vector.shape_cast %get3A_28 : vector<1x2048x256xf32> to vector<2048x256xf32>
      %mul3A = arith.mulf %get3A_29, %get3A_29 : vector<2048x256xf32>
      %reduce_sum3A = arith.constant dense<0.000000e+00> : vector<2048xf32>
      %reduce_sum3A_30 = vector.multi_reduction <add>, %mul3A, %reduce_sum3A [1] : vector<2048x256xf32> to vector<2048xf32>
      %broadcast_in_dim3A = vector.shape_cast %reduce_sum3A_30 : vector<2048xf32> to vector<2048x1xf32>
      %transpose3A = tpu.transpose %broadcast_in_dim3A, [1, 0] : vector<2048x1xf32> -> vector<1x2048xf32>
      %get3A_31 = arith.constant 0 : index
      %get3A_32 = arith.constant 0 : index
      %get3A_33 = vector.load %arg14[%get3A_31, %get3A_32] : memref<576x256xf32, #tpu.memory_space<vmem>>, vector<576x256xf32>
      %dot_general3A = arith.constant dense<0.000000e+00> : vector<576x2048xf32>
      %dot_general3A_34 = tpu.matmul %get3A_33, %get3A_29, %dot_general3A {dimension_numbers = #tpu.dot_dimension_numbers<[1], [1], [0], [0], [0, 0, 1, 0], [], []>, transpose_lhs_hint = false} : vector<576x256xf32>, vector<2048x256xf32>, vector<576x2048xf32> -> vector<576x2048xf32>
      %get3A_35 = arith.constant 0 : index
      %get3A_36 = arith.constant 0 : index
      %get3A_37 = vector.load %arg15[%get3A_35, %get3A_36] : memref<576x1xf32, #tpu.memory_space<vmem>>, vector<576x1xf32>
      %add3A = vector.broadcast %get3A_37 : vector<576x1xf32> to vector<576x2048xf32>
      %add3A_38 = vector.broadcast %transpose3A : vector<1x2048xf32> to vector<576x2048xf32>
      %add3A_39 = arith.addf %add3A, %add3A_38 : vector<576x2048xf32>
      %mul3A_40 = arith.constant 2.000000e+00 : f32
      %mul3A_41 = vector.broadcast %mul3A_40 : f32 to vector<576x2048xf32>
      %mul3A_42 = arith.mulf %mul3A_41, %dot_general3A_34 : vector<576x2048xf32>
      %sub3A_43 = arith.subf %add3A_39, %mul3A_42 : vector<576x2048xf32>
      %iota3A = tpu.iota {dimensions = array<i32: 1>} : vector<576x2048xi32>
      %mul3A_44 = arith.constant 2048 : i32
      %mul3A_45 = arith.muli %sub3A_25, %mul3A_44 : i32
      %add3A_46 = vector.broadcast %mul3A_45 : i32 to vector<576x2048xi32>
      %add3A_47 = arith.addi %iota3A, %add3A_46 : vector<576x2048xi32>
      %reduce_min3A = arith.constant dense<0x7F800000> : vector<576xf32>
      %reduce_min3A_48 = vector.multi_reduction <minimumf>, %sub3A_43, %reduce_min3A [1] : vector<576x2048xf32> to vector<576xf32>
      %broadcast_in_dim3A_49 = vector.shape_cast %reduce_min3A_48 : vector<576xf32> to vector<576x1xf32>
      %eq3A_50 = vector.broadcast %broadcast_in_dim3A_49 : vector<576x1xf32> to vector<576x2048xf32>
      %eq3A_51 = arith.cmpf oeq, %sub3A_43, %eq3A_50 : vector<576x2048xf32>
      %jit3A = arith.constant 2147483647 : i32
      %broadcast_in_dim3A_52 = vector.broadcast %jit3A : i32 to vector<576x2048xi32>
      %select_n3A = arith.select %eq3A_51, %add3A_47, %broadcast_in_dim3A_52 : vector<576x2048xi1>, vector<576x2048xi32>
      %reduce_min3A_53 = arith.constant dense<2147483647> : vector<576xi32>
      %reduce_min3A_54 = vector.multi_reduction <minsi>, %select_n3A, %reduce_min3A_53 [1] : vector<576x2048xi32> to vector<576xi32>
      %broadcast_in_dim3A_55 = vector.shape_cast %reduce_min3A_54 : vector<576xi32> to vector<576x1xi32>
      %get3A_56 = arith.constant 0 : index
      %get3A_57 = arith.constant 0 : index
      %get3A_58 = vector.load %arg16[%get3A_56, %get3A_57] : memref<576x1xf32, #tpu.memory_space<vmem>>, vector<576x1xf32>
      %lt3A_59 = arith.cmpf olt, %broadcast_in_dim3A_49, %get3A_58 : vector<576x1xf32>
      %get3A_60 = arith.constant 0 : index
      %get3A_61 = arith.constant 0 : index
      %get3A_62 = vector.load %arg17[%get3A_60, %get3A_61] : memref<576x1xi32, #tpu.memory_space<vmem>>, vector<576x1xi32>
      %select_n3A_63 = arith.select %lt3A_59, %broadcast_in_dim3A_55, %get3A_62 : vector<576x1xi1>, vector<576x1xi32>
      %swap3A = arith.constant 0 : index
      %swap3A_64 = arith.constant 0 : index
      %swap3A_65 = vector.load %arg17[%swap3A, %swap3A_64] : memref<576x1xi32, #tpu.memory_space<vmem>>, vector<576x1xi32>
      tpu.vector_store %arg17[%swap3A, %swap3A_64], %select_n3A_63 {strides = array<i32>} : memref<576x1xi32, #tpu.memory_space<vmem>>, vector<576x1xi32>,
      %select_n3A_66 = arith.select %lt3A_59, %broadcast_in_dim3A_49, %get3A_58 : vector<576x1xi1>, vector<576x1xf32>
      %swap3A_67 = arith.constant 0 : index
      %swap3A_68 = arith.constant 0 : index
      %swap3A_69 = vector.load %arg16[%swap3A_67, %swap3A_68] : memref<576x1xf32, #tpu.memory_space<vmem>>, vector<576x1xf32>
      tpu.vector_store %arg16[%swap3A_67, %swap3A_68], %select_n3A_66 {strides = array<i32>} : memref<576x1xf32, #tpu.memory_space<vmem>>, vector<576x1xf32>,
    } else {
    }
    %ge3A_17 = arith.constant 1 : i32
    %ge3A_18 = arith.cmpi sge, %arg1, %ge3A_17 : i32
    %gt3A_19 = arith.constant 0 : i32
    %gt3A_20 = arith.cmpi sgt, %arg0, %gt3A_19 : i32
    %and3A_21 = arith.andi %ge3A_18, %gt3A_20 : i1
    %convert_element_type3A_22 = arith.extui %and3A_21 : i1 to i32
    %cond3A_23 = arith.constant 0 : i32
    %cond3A_24 = arith.cmpi ne, %convert_element_type3A_22, %cond3A_23 : i32
    scf.if %cond3A_24 {
      %sub3A = arith.constant 1 : i32
      %sub3A_25 = arith.subi %arg1, %sub3A : i32
      %iota3A = tpu.iota {dimensions = array<i32: 1>} : vector<576x2048xi32>
      %mul3A = arith.constant 2048 : i32
      %mul3A_26 = arith.muli %sub3A_25, %mul3A : i32
      %add3A = vector.broadcast %mul3A_26 : i32 to vector<576x2048xi32>
      %add3A_27 = arith.addi %iota3A, %add3A : vector<576x2048xi32>
      %get3A = arith.constant 0 : index
      %get3A_28 = arith.constant 0 : index
      %get3A_29 = vector.load %arg18[%get3A, %get3A_28] : memref<576x1xi32, #tpu.memory_space<vmem>>, vector<576x1xi32>
      %eq3A_30 = vector.broadcast %get3A_29 : vector<576x1xi32> to vector<576x2048xi32>
      %eq3A_31 = arith.cmpi eq, %eq3A_30, %add3A_27 : vector<576x2048xi32>
      %jit3A = arith.constant 1.000000e+00 : f32
      %jit3A_32 = arith.constant 0.000000e+00 : f32
      %broadcast_in_dim3A = vector.broadcast %jit3A : f32 to vector<576x2048xf32>
      %broadcast_in_dim3A_33 = vector.broadcast %jit3A_32 : f32 to vector<576x2048xf32>
      %select_n3A = arith.select %eq3A_31, %broadcast_in_dim3A, %broadcast_in_dim3A_33 : vector<576x2048xi1>, vector<576x2048xf32>
      %swap3A = arith.constant 0 : index
      %swap3A_34 = arith.constant 0 : index
      %swap3A_35 = arith.constant 0 : index
      %swap3A_36 = vector.load %arg13[%swap3A, %swap3A_34, %swap3A_35] : memref<1x576x2048xf32, #tpu.memory_space<vmem>>, vector<1x576x2048xf32>
      %swap3A_37 = vector.shape_cast %swap3A_36 : vector<1x576x2048xf32> to vector<576x2048xf32>
      %swap3A_38 = vector.shape_cast %select_n3A : vector<576x2048xf32> to vector<1x576x2048xf32>
      tpu.vector_store %arg13[%swap3A, %swap3A_34, %swap3A_35], %swap3A_38 {strides = array<i32>} : memref<1x576x2048xf32, #tpu.memory_space<vmem>>, vector<1x576x2048xf32>,
    } else {
    }
    return
  }
  func.func @transform_0(%arg0: i32, %arg1: i32, %arg2: memref<8xi32, #tpu.memory_space<smem>>) -> (i32, i32, i32) {
    %jit3A = arith.constant 0 : i32
    %jit3A_0 = arith.constant 7 : i32
    %max3A = arith.maxsi %jit3A, %arg0 : i32
    %min3A = arith.minsi %jit3A_0, %max3A : i32
    %c0_i32 = arith.constant 0 : i32
    %c0_i32_1 = arith.constant 0 : i32
    %c0_i32_2 = arith.constant 0 : i32
    return %min3A, %c0_i32, %c0_i32_1 : i32, i32, i32
  }
  func.func @transform_1(%arg0: i32, %arg1: i32, %arg2: memref<8xi32, #tpu.memory_space<smem>>) -> (i32, i32) {
    %c0_i32 = arith.constant 0 : i32
    %c0_i32_0 = arith.constant 0 : i32
    %c0_i32_1 = arith.constant 0 : i32
    return %c0_i32, %c0_i32_0 : i32, i32
  }
  func.func @transform_2(%arg0: i32, %arg1: i32, %arg2: memref<8xi32, #tpu.memory_space<smem>>) -> (i32, i32) {
    %c0_i32 = arith.constant 0 : i32
    %c0_i32_0 = arith.constant 0 : i32
    %c0_i32_1 = arith.constant 0 : i32
    return %c0_i32, %c0_i32_0 : i32, i32
  }
  func.func @transform_3(%arg0: i32, %arg1: i32, %arg2: memref<8xi32, #tpu.memory_space<smem>>) -> (i32, i32) {
    %c0_i32 = arith.constant 0 : i32
    %c0_i32_0 = arith.constant 0 : i32
    %c0_i32_1 = arith.constant 0 : i32
    return %c0_i32, %c0_i32_0 : i32, i32
  }
  func.func @transform_4(%arg0: i32, %arg1: i32, %arg2: memref<8xi32, #tpu.memory_space<smem>>) -> (i32, i32) {
    %c0_i32 = arith.constant 0 : i32
    %c0_i32_0 = arith.constant 0 : i32
    %c0_i32_1 = arith.constant 0 : i32
    return %c0_i32, %c0_i32_0 : i32, i32
  }
  func.func @transform_5(%arg0: i32, %arg1: i32, %arg2: memref<8xi32, #tpu.memory_space<smem>>) -> (i32, i32) {
    %c0_i32 = arith.constant 0 : i32
    %c0_i32_0 = arith.constant 0 : i32
    %c0_i32_1 = arith.constant 0 : i32
    return %c0_i32, %c0_i32_0 : i32, i32
  }
  func.func @transform_6(%arg0: i32, %arg1: i32, %arg2: memref<8xi32, #tpu.memory_space<smem>>) -> (i32, i32) {
    %c0_i32 = arith.constant 0 : i32
    %c0_i32_0 = arith.constant 0 : i32
    %c0_i32_1 = arith.constant 0 : i32
    return %c0_i32, %c0_i32_0 : i32, i32
  }
  func.func @transform_7(%arg0: i32, %arg1: i32, %arg2: memref<8xi32, #tpu.memory_space<smem>>) -> (i32, i32, i32) {
    %jit3A = arith.constant 0 : i32
    %jit3A_0 = arith.constant 7 : i32
    %max3A = arith.maxsi %jit3A, %arg0 : i32
    %min3A = arith.minsi %jit3A_0, %max3A : i32
    %get3A = arith.index_cast %min3A : i32 to index
    %get3A_1 = memref.load %arg2[%get3A] : memref<8xi32, #tpu.memory_space<smem>>
    %sub3A = arith.constant 1 : i32
    %sub3A_2 = arith.subi %arg1, %sub3A : i32
    %jit3A_3 = arith.constant 0 : i32
    %jit3A_4 = arith.constant 3 : i32
    %max3A_5 = arith.maxsi %jit3A_3, %sub3A_2 : i32
    %min3A_6 = arith.minsi %jit3A_4, %max3A_5 : i32
    %c0_i32 = arith.constant 0 : i32
    %c0_i32_7 = arith.constant 0 : i32
    return %get3A_1, %min3A_6, %c0_i32 : i32, i32, i32
  }
  func.func @transform_8(%arg0: i32, %arg1: i32, %arg2: memref<8xi32, #tpu.memory_space<smem>>) -> (i32, i32, i32) {
    %sub3A = arith.constant 1 : i32
    %sub3A_0 = arith.subi %arg0, %sub3A : i32
    %jit3A = arith.constant 0 : i32
    %jit3A_1 = arith.constant 7 : i32
    %max3A = arith.maxsi %jit3A, %sub3A_0 : i32
    %min3A = arith.minsi %jit3A_1, %max3A : i32
    %c0_i32 = arith.constant 0 : i32
    %c0_i32_2 = arith.constant 0 : i32
    %c0_i32_3 = arith.constant 0 : i32
    return %min3A, %c0_i32, %c0_i32_2 : i32, i32, i32
  }
  func.func @transform_9(%arg0: i32, %arg1: i32, %arg2: memref<8xi32, #tpu.memory_space<smem>>) -> (i32, i32, i32) {
    %sub3A = arith.constant 1 : i32
    %sub3A_0 = arith.subi %arg0, %sub3A : i32
    %jit3A = arith.constant 0 : i32
    %jit3A_1 = arith.constant 7 : i32
    %max3A = arith.maxsi %jit3A, %sub3A_0 : i32
    %min3A = arith.minsi %jit3A_1, %max3A : i32
    %c0_i32 = arith.constant 0 : i32
    %c0_i32_2 = arith.constant 0 : i32
    %c0_i32_3 = arith.constant 0 : i32
    return %min3A, %c0_i32, %c0_i32_2 : i32, i32, i32
  }
  func.func @transform_10(%arg0: i32, %arg1: i32, %arg2: memref<8xi32, #tpu.memory_space<smem>>) -> (i32, i32, i32) {
    %sub3A = arith.constant 1 : i32
    %sub3A_0 = arith.subi %arg0, %sub3A : i32
    %jit3A = arith.constant 0 : i32
    %jit3A_1 = arith.constant 7 : i32
    %max3A = arith.maxsi %jit3A, %sub3A_0 : i32
    %min3A = arith.minsi %jit3A_1, %max3A : i32
    %eq3A = arith.constant 0 : i32
    %eq3A_2 = arith.cmpi eq, %arg0, %eq3A : i32
    %sub3A_3 = arith.constant 1 : i32
    %sub3A_4 = arith.subi %arg1, %sub3A_3 : i32
    %jit3A_5 = arith.constant 0 : i32
    %jit3A_6 = arith.constant 3 : i32
    %max3A_7 = arith.maxsi %jit3A_5, %sub3A_4 : i32
    %min3A_8 = arith.minsi %jit3A_6, %max3A_7 : i32
    %jit3A_9 = arith.constant 0 : i32
    %select_n3A = arith.select %eq3A_2, %jit3A_9, %min3A_8 : i32
    %c0_i32 = arith.constant 0 : i32
    %c0_i32_10 = arith.constant 0 : i32
    return %min3A, %c0_i32, %select_n3A : i32, i32, i32
  }
}

module attributes {stable_mosaic.version = 14 : i64} {
  func.func @_proj_out_body(%arg0: i32, %arg1: memref<1x576x256xf32, #tpu.memory_space<vmem>>, %arg2: memref<768x256xf32, #tpu.memory_space<vmem>>, %arg3: memref<1x768xf32, #tpu.memory_space<vmem>>, %arg4: memref<768x768xf32, #tpu.memory_space<vmem>>, %arg5: memref<1x768xf32, #tpu.memory_space<vmem>>, %arg6: memref<1x768xf32, #tpu.memory_space<vmem>>, %arg7: memref<1x768xf32, #tpu.memory_space<vmem>>, %arg8: memref<1x576x768xf32, #tpu.memory_space<vmem>>) attributes {dimension_semantics = [#tpu.dimension_semantics<arbitrary>], iteration_bounds = array<i64: 8>, scalar_prefetch = 0 : i64, scratch_operands = 0 : i64, tpu.core_type = #tpu.core_type<tc>, window_params = [{transform_indices = @transform_0, window_bounds = array<i64: 1, 576, 256>}, {pipeline_mode = #tpu.pipeline_mode<synchronous>, transform_indices = @transform_1, window_bounds = array<i64: 768, 256>}, {pipeline_mode = #tpu.pipeline_mode<synchronous>, transform_indices = @transform_2, window_bounds = array<i64: 1, 768>}, {pipeline_mode = #tpu.pipeline_mode<synchronous>, transform_indices = @transform_3, window_bounds = array<i64: 768, 768>}, {pipeline_mode = #tpu.pipeline_mode<synchronous>, transform_indices = @transform_4, window_bounds = array<i64: 1, 768>}, {pipeline_mode = #tpu.pipeline_mode<synchronous>, transform_indices = @transform_5, window_bounds = array<i64: 1, 768>}, {pipeline_mode = #tpu.pipeline_mode<synchronous>, transform_indices = @transform_6, window_bounds = array<i64: 1, 768>}, {transform_indices = @transform_7, window_bounds = array<i64: 1, 576, 768>}]} {
    %get3A = arith.constant 0 : index
    %get3A_0 = arith.constant 0 : index
    %get3A_1 = arith.constant 0 : index
    %get3A_2 = vector.load %arg1[%get3A, %get3A_0, %get3A_1] : memref<1x576x256xf32, #tpu.memory_space<vmem>>, vector<1x576x256xf32>
    %get3A_3 = vector.shape_cast %get3A_2 : vector<1x576x256xf32> to vector<576x256xf32>
    %get3A_4 = arith.constant 0 : index
    %get3A_5 = arith.constant 0 : index
    %get3A_6 = vector.load %arg2[%get3A_4, %get3A_5] : memref<768x256xf32, #tpu.memory_space<vmem>>, vector<768x256xf32>
    %dot_general3A = arith.constant dense<0.000000e+00> : vector<576x768xf32>
    %dot_general3A_7 = tpu.matmul %get3A_3, %get3A_6, %dot_general3A {dimension_numbers = #tpu.dot_dimension_numbers<[1], [1], [0], [0], [0, 0, 1, 0], [], []>, transpose_lhs_hint = false} : vector<576x256xf32>, vector<768x256xf32>, vector<576x768xf32> -> vector<576x768xf32>
    %get3A_8 = arith.constant 0 : index
    %get3A_9 = arith.constant 0 : index
    %get3A_10 = vector.load %arg3[%get3A_8, %get3A_9] : memref<1x768xf32, #tpu.memory_space<vmem>>, vector<1x768xf32>
    %add3A = vector.broadcast %get3A_10 : vector<1x768xf32> to vector<576x768xf32>
    %add3A_11 = arith.addf %dot_general3A_7, %add3A : vector<576x768xf32>
    %max3A = arith.constant 0.000000e+00 : f32
    %max3A_12 = vector.broadcast %max3A : f32 to vector<576x768xf32>
    %max3A_13 = arith.maximumf %add3A_11, %max3A_12 : vector<576x768xf32>
    %get3A_14 = arith.constant 0 : index
    %get3A_15 = arith.constant 0 : index
    %get3A_16 = vector.load %arg4[%get3A_14, %get3A_15] : memref<768x768xf32, #tpu.memory_space<vmem>>, vector<768x768xf32>
    %dot_general3A_17 = arith.constant dense<0.000000e+00> : vector<576x768xf32>
    %dot_general3A_18 = tpu.matmul %max3A_13, %get3A_16, %dot_general3A_17 {dimension_numbers = #tpu.dot_dimension_numbers<[1], [1], [0], [0], [0, 0, 1, 0], [], []>, transpose_lhs_hint = false} : vector<576x768xf32>, vector<768x768xf32>, vector<576x768xf32> -> vector<576x768xf32>
    %get3A_19 = arith.constant 0 : index
    %get3A_20 = arith.constant 0 : index
    %get3A_21 = vector.load %arg5[%get3A_19, %get3A_20] : memref<1x768xf32, #tpu.memory_space<vmem>>, vector<1x768xf32>
    %add3A_22 = vector.broadcast %get3A_21 : vector<1x768xf32> to vector<576x768xf32>
    %add3A_23 = arith.addf %dot_general3A_18, %add3A_22 : vector<576x768xf32>
    %get3A_24 = arith.constant 0 : index
    %get3A_25 = arith.constant 0 : index
    %get3A_26 = vector.load %arg6[%get3A_24, %get3A_25] : memref<1x768xf32, #tpu.memory_space<vmem>>, vector<1x768xf32>
    %get3A_27 = arith.constant 0 : index
    %get3A_28 = arith.constant 0 : index
    %get3A_29 = vector.load %arg7[%get3A_27, %get3A_28] : memref<1x768xf32, #tpu.memory_space<vmem>>, vector<1x768xf32>
    %reduce_sum3A = arith.constant dense<0.000000e+00> : vector<576xf32>
    %reduce_sum3A_30 = vector.multi_reduction <add>, %add3A_23, %reduce_sum3A [1] : vector<576x768xf32> to vector<576xf32>
    %broadcast_in_dim3A = vector.shape_cast %reduce_sum3A_30 : vector<576xf32> to vector<576x1xf32>
    %div3A = arith.constant 7.680000e+02 : f32
    %div3A_31 = vector.broadcast %div3A : f32 to vector<576x1xf32>
    %div3A_32 = arith.divf %broadcast_in_dim3A, %div3A_31 : vector<576x1xf32>
    %sub3A = vector.broadcast %div3A_32 : vector<576x1xf32> to vector<576x768xf32>
    %sub3A_33 = arith.subf %add3A_23, %sub3A : vector<576x768xf32>
    %integer_pow3A = arith.mulf %sub3A_33, %sub3A_33 : vector<576x768xf32>
    %reduce_sum3A_34 = arith.constant dense<0.000000e+00> : vector<576xf32>
    %reduce_sum3A_35 = vector.multi_reduction <add>, %integer_pow3A, %reduce_sum3A_34 [1] : vector<576x768xf32> to vector<576xf32>
    %broadcast_in_dim3A_36 = vector.shape_cast %reduce_sum3A_35 : vector<576xf32> to vector<576x1xf32>
    %div3A_37 = arith.constant 7.680000e+02 : f32
    %div3A_38 = vector.broadcast %div3A_37 : f32 to vector<576x1xf32>
    %div3A_39 = arith.divf %broadcast_in_dim3A_36, %div3A_38 : vector<576x1xf32>
    %sub3A_40 = vector.broadcast %div3A_32 : vector<576x1xf32> to vector<576x768xf32>
    %sub3A_41 = arith.subf %add3A_23, %sub3A_40 : vector<576x768xf32>
    %add3A_42 = arith.constant 9.99999974E-6 : f32
    %add3A_43 = vector.broadcast %add3A_42 : f32 to vector<576x1xf32>
    %add3A_44 = arith.addf %div3A_39, %add3A_43 : vector<576x1xf32>
    %sqrt3A = math.sqrt %add3A_44 : vector<576x1xf32>
    %div3A_45 = vector.broadcast %sqrt3A : vector<576x1xf32> to vector<576x768xf32>
    %div3A_46 = arith.divf %sub3A_41, %div3A_45 : vector<576x768xf32>
    %mul3A = vector.broadcast %get3A_26 : vector<1x768xf32> to vector<576x768xf32>
    %mul3A_47 = arith.mulf %div3A_46, %mul3A : vector<576x768xf32>
    %add3A_48 = vector.broadcast %get3A_29 : vector<1x768xf32> to vector<576x768xf32>
    %add3A_49 = arith.addf %mul3A_47, %add3A_48 : vector<576x768xf32>
    %swap3A = arith.constant 0 : index
    %swap3A_50 = arith.constant 0 : index
    %swap3A_51 = arith.constant 0 : index
    %swap3A_52 = vector.load %arg8[%swap3A, %swap3A_50, %swap3A_51] : memref<1x576x768xf32, #tpu.memory_space<vmem>>, vector<1x576x768xf32>
    %swap3A_53 = vector.shape_cast %swap3A_52 : vector<1x576x768xf32> to vector<576x768xf32>
    %swap3A_54 = vector.shape_cast %add3A_49 : vector<576x768xf32> to vector<1x576x768xf32>
    tpu.vector_store %arg8[%swap3A, %swap3A_50, %swap3A_51], %swap3A_54 {strides = array<i32>} : memref<1x576x768xf32, #tpu.memory_space<vmem>>, vector<1x576x768xf32>,
    return
  }
  func.func @transform_0(%arg0: i32) -> (i32, i32, i32) {
    %c0_i32 = arith.constant 0 : i32
    %c0_i32_0 = arith.constant 0 : i32
    %c0_i32_1 = arith.constant 0 : i32
    return %arg0, %c0_i32, %c0_i32_0 : i32, i32, i32
  }
  func.func @transform_1(%arg0: i32) -> (i32, i32) {
    %c0_i32 = arith.constant 0 : i32
    %c0_i32_0 = arith.constant 0 : i32
    %c0_i32_1 = arith.constant 0 : i32
    return %c0_i32, %c0_i32_0 : i32, i32
  }
  func.func @transform_2(%arg0: i32) -> (i32, i32) {
    %c0_i32 = arith.constant 0 : i32
    %c0_i32_0 = arith.constant 0 : i32
    %c0_i32_1 = arith.constant 0 : i32
    return %c0_i32, %c0_i32_0 : i32, i32
  }
  func.func @transform_3(%arg0: i32) -> (i32, i32) {
    %c0_i32 = arith.constant 0 : i32
    %c0_i32_0 = arith.constant 0 : i32
    %c0_i32_1 = arith.constant 0 : i32
    return %c0_i32, %c0_i32_0 : i32, i32
  }
  func.func @transform_4(%arg0: i32) -> (i32, i32) {
    %c0_i32 = arith.constant 0 : i32
    %c0_i32_0 = arith.constant 0 : i32
    %c0_i32_1 = arith.constant 0 : i32
    return %c0_i32, %c0_i32_0 : i32, i32
  }
  func.func @transform_5(%arg0: i32) -> (i32, i32) {
    %c0_i32 = arith.constant 0 : i32
    %c0_i32_0 = arith.constant 0 : i32
    %c0_i32_1 = arith.constant 0 : i32
    return %c0_i32, %c0_i32_0 : i32, i32
  }
  func.func @transform_6(%arg0: i32) -> (i32, i32) {
    %c0_i32 = arith.constant 0 : i32
    %c0_i32_0 = arith.constant 0 : i32
    %c0_i32_1 = arith.constant 0 : i32
    return %c0_i32, %c0_i32_0 : i32, i32
  }
  func.func @transform_7(%arg0: i32) -> (i32, i32, i32) {
    %c0_i32 = arith.constant 0 : i32
    %c0_i32_0 = arith.constant 0 : i32
    %c0_i32_1 = arith.constant 0 : i32
    return %arg0, %c0_i32, %c0_i32_0 : i32, i32, i32
  }
}

</mosaic_0001>

<sc_bundles>
// kernel: kernel.5.cloned.1.call-start
scs
__scs_entry_jumppad:
0x0: {  	(pc) =	sbr.rel $0x88, $3  }
0x1: {  	(tag) =	ssettag $0x0;
	lr =	simm.s32 $0x1  }
0x2: {  	[smem:$0x3F92] =	sst lr;
	_ =	strace $0xD0000000  }
0x3: {  	_ = 	snop  }
0x4: {  	_ = 	snop  }
0x5: {  	_ = 	snop  }
0x6: {  	_ = 	snop  }
0x7: {  	_ = 	snop  }
__scs_overlays_trampoline_lowered:
0x8: {  	[smem:$0x3FA1] =	sst s0  }
0x9: {  	[smem:$0x3FA2] =	sst s1  }
0xa: {  	[smem:$0x3FA3] =	sst s2  }
0xb: {  	[smem:$0x3FA4] =	sst s3  }
0xc: {  	[smem:$0x3FA5] =	sst s4  }
0xd: {  	[smem:$0x3FA6] =	sst s5  }
0xe: {  	[smem:$0x3FA7] =	sst s6  }
0xf: {  	[smem:$0x3FA8] =	sst s7  }
0x10: {  	[smem:$0x3FA9] =	sst s8  }
0x11: {  	[smem:$0x3FAA] =	sst s9;
	s0 =	simm.s32 @!p0 $0x0  }
0x12: {  	s1 =	sld [smem:$0x3F90];
	s0 =	simm.s32 @p0 $0x1  }
0x13: {  	[smem:$0x3FAB] =	sst s0;
	s0 =	simm.s32 @!p1 $0x0  }
0x14: {  	s2 =	sld [smem:$0x3F8F];
	s0 =	simm.s32 @p1 $0x1  }
0x15: {  	[smem:$0x3FAC] =	sst s0;
	s0 =	simm.s32 @!p2 $0x0  }
0x16: {  	s3 =	sld [smem:$0x3FDB];
	s0 =	simm.s32 @p2 $0x1  }
0x17: {  	s4 =	simm.s32 $0x1BF5;
	[smem:$0x3FAE] =	sst s0  }
0x18: {  	s0 =	sld [smem:$0x3F91];
	_ =	swait.ge [sflag:s4], $0x0  }
0x19: {  	s7 =	sld [smem:$0x3F92]  }
0x1a: {  	s8 =	sadd.s32 $0xFFFFE003, lr  }
0x1b: {  	s9 =	sadd.s32 $0xFFFFFEF7, lr;
	s5 =	simm.s32 $0xFFFFFFFF;
	p2 =	slt.u32 s8, $0xFFFFF086  }
0x1c: {  	p1 =	slt.u32 s9, $0xF7A;
	s5 =	simm.s32 @!p2 $0x0  }
0x1d: {  	s5 =	simm.s32 @p1 $0x1;
	p0 =	seq.s32 s7, s2  }
0x1e: {  	s7 =	smul.u32 @!p0 $0xF7A, s2;
	p2 =	seq.s32 @!p0 s5, $0x0  }
0x1f: {  	s9 =	smul.u32 $0xF7A, s1;
	s8 =	simm.s32 @!p0 $0x1BF5;
	p2 =	por !p2, p0  }
0x20: {  	[sflag:s8] =	ssyncset.s32 @!p0 $0xFFFFF086;
	s6 =	sadd.s32 @!p0 s3, s7;
	s7 =	simm.s32 @!p0 $0x108  }
0x21: {  	s3 =	sadd.s32 s3, s9;
	s6 =	sadd.s32 @!p0 $0x88, s6;
	s7 =	simm.s32 @p2 $0x1082  }
0x22: {  	[simem:s7], [sflag:s8] =	dma.local @!p0 [hbm:s6], $0xF7A  }
0x23: {  	s9 =	sor.u32 $0xD0000000, s2;
	s6 =	simm.s32 $0x108;
	_ =	swait.ge @!p0 [sflag:s8], $0x0  }
0x24: {  	s3 =	sadd.s32 $0x88, s3;
	s6 =	simm.s32 @!p1 $0x1082;
	[sflag:s4] =	ssyncset.s32 $0xFFFFF086  }
0x25: {  	[simem:s6], [sflag:s4] =	dma.local [hbm:s3], $0xF7A  }
0x26: {  	[smem:$0x3F92] =	sst s1;
	(tag) =	ssettag s2;
	_ =	strace s9  }
0x27: {  	s1 =	sld [smem:$0x3FA2]  }
0x28: {  	s2 =	sld [smem:$0x3FA3]  }
0x29: {  	s4 =	sld [smem:$0x3FA5]  }
0x2a: {  	p0 =	seq.s32 s5, $0x0;
	s5 =	sld [smem:$0x3FA6]  }
0x2b: {  	s6 =	sld [smem:$0x3FA7]  }
0x2c: {  	s7 =	sld [smem:$0x3FA8]  }
0x2d: {  	s3 =	simm.s32 $0x108;
	s8 =	sld [smem:$0x3FA9]  }
0x2e: {  	s3 =	simm.s32 @!p0 $0x1082;
	s9 =	sld [smem:$0x3FAA]  }
0x2f: {  	lr =	sadd.s32 s0, s3;
	s0 =	sld [smem:$0x3FA1]  }
0x30: {  	s3 =	sld [smem:$0x3FA4]  }
0x31: {  	[smem:$0x3FAD] =	sst s10  }
0x32: {  	s10 =	sld [smem:$0x3FAB];
	_ =	sdelay $0x3  }
0x33: {  	p0 =	seq.s32 s10, $0x1;
	s10 =	sld [smem:$0x3FAD];
	_ =	sdelay $0x3  }
0x34: {  	[smem:$0x3FAD] =	sst s10  }
0x35: {  	s10 =	sld [smem:$0x3FAC];
	_ =	sdelay $0x3  }
0x36: {  	p1 =	seq.s32 s10, $0x1;
	s10 =	sld [smem:$0x3FAD];
	_ =	sdelay $0x3  }
0x37: {  	[smem:$0x3FAD] =	sst s10  }
0x38: {  	s10 =	sld [smem:$0x3FAE]  }
0x39: {  	_ = 	snop;
	(pc) =	sbr.ind lr, $3  }
0x3a: {  	_ = 	snop  }
0x3b: {  	_ = 	snop  }
0x3c: {  	p2 =	seq.s32 s10, $0x1;
	s10 =	sld [smem:$0x3FAD]  }
0x3d: {  	_ =	shalt  }
0x3e: {  	_ =	shalt  }
0x3f: {  	_ =	shalt  }
0x40: {  	_ =	shalt  }
0x41: {  	_ =	shalt  }
0x42: {  	_ =	shalt  }
0x43: {  	_ =	shalt  }
0x44: {  	_ =	shalt  }
0x45: {  	_ =	shalt  }
0x46: {  	_ =	shalt  }
0x47: {  	_ =	shalt  }
0x48: {  	_ =	shalt  }
0x49: {  	_ =	shalt  }
0x4a: {  	_ =	shalt  }
0x4b: {  	_ =	shalt  }
0x4c: {  	_ =	shalt  }
0x4d: {  	_ =	shalt  }
0x4e: {  	_ =	shalt  }
0x4f: {  	_ =	shalt  }
0x50: {  	_ =	shalt  }
0x51: {  	_ =	shalt  }
0x52: {  	_ =	shalt  }
0x53: {  	_ =	shalt  }
0x54: {  	_ =	shalt  }
0x55: {  	_ =	shalt  }
0x56: {  	_ =	shalt  }
0x57: {  	_ =	shalt  }
0x58: {  	_ =	shalt  }
0x59: {  	_ =	shalt  }
0x5a: {  	_ =	shalt  }
0x5b: {  	_ =	shalt  }
0x5c: {  	_ =	shalt  }
0x5d: {  	_ =	shalt  }
0x5e: {  	_ =	shalt  }
0x5f: {  	_ =	shalt  }
0x60: {  	_ =	shalt  }
0x61: {  	_ =	shalt  }
0x62: {  	_ =	shalt  }
0x63: {  	_ =	shalt  }
0x64: {  	_ =	shalt  }
0x65: {  	_ =	shalt  }
0x66: {  	_ =	shalt  }
0x67: {  	_ =	shalt  }
0x68: {  	_ =	shalt  }
0x69: {  	_ =	shalt  }
0x6a: {  	_ =	shalt  }
0x6b: {  	_ =	shalt  }
0x6c: {  	_ =	shalt  }
0x6d: {  	_ =	shalt  }
0x6e: {  	_ =	shalt  }
0x6f: {  	_ =	shalt  }
0x70: {  	_ =	shalt  }
0x71: {  	_ =	shalt  }
0x72: {  	_ =	shalt  }
0x73: {  	_ =	shalt  }
0x74: {  	_ =	shalt  }
0x75: {  	_ =	shalt  }
0x76: {  	_ =	shalt  }
0x77: {  	_ =	shalt  }
0x78: {  	_ =	shalt  }
0x79: {  	_ =	shalt  }
0x7a: {  	_ =	shalt  }
0x7b: {  	_ =	shalt  }
0x7c: {  	_ =	shalt  }
0x7d: {  	_ =	shalt  }
0x7e: {  	_ =	shalt  }
0x7f: {  	_ =	shalt  }
0x80: {  	_ =	shalt  }
0x81: {  	_ =	shalt  }
0x82: {  	_ =	shalt  }
0x83: {  	_ =	shalt  }
0x84: {  	_ =	shalt  }
0x85: {  	_ =	shalt  }
0x86: {  	_ =	shalt  }
0x87: {  	_ =	shalt  }
.Lfunc_end0:
.L_simem_size_0:
called_computation_lowered:
.L_overlay_start_0:
0x88: {  	s2 =	sld [smem:$0x3FD9]  }
0x89: {  	s3 =	sld [smem:$0x3FFE];
	_ =	sdelay $0x1  }
0x8a: {  	s1 =	srdreg.scid  }
0x8b: {  	s0 =	sand.u32 $0x1, s1  }
0x8c: {  	s14 =	sshll.u32 s0, $0xA;
	s2 =	sadd.s32 s3, s2  }
0x8d: {  	s2 =	sadd.s32 s2, s14  }
0x8e: {  	[smem:$0x3FB9] =	sst s2  }
0x8f: {  	_ = 	snop  }
0x90: {  	s2 =	sld [smem:$0x3FD0];
	_ =	sdelay $0x2  }
0x91: {  	s4 =	simm.s32 $0xA;
	s5 =	simm.s32 $0x10;
	s15 =	sld [smem:$0x3FC7]  }
0x92: {  	[smem:s5], [sflag:s4] =	dma.local [hbm:s2], $0x1  }
0x93: {  	_ =	swait.eq [sflag:s4], $0x1  }
0x94: {  	[sflag:s4] =	ssyncset.done $0x0  }
0x95: {  	[sflag:s4] =	ssyncadd.s32 $0xFFFFFFFF  }
0x96: {  	s16 =	sld [smem:$0x10];
	(tm) =	ssettm $0x1  }
0x97: {  	s17 =	sld [smem:$0x3FFB];
	_ =	sdelay $0x3  }
0x98: {  	_ =	strace s17  }
0x99: {  	s4 =	sld [smem:$0x3FFC];
	_ =	sdelay $0x3  }
0x9a: {  	_ =	strace s4  }
0x9b: {  	s4 =	sld [smem:$0x3FFD];
	_ =	sdelay $0x3  }
0x9c: {  	_ =	strace s4  }
0x9d: {  	_ =	strace $0x8FFFFFFF  }
0x9e: {  	s18 =	sld [smem:$0x3FDB];
	_ =	sdelay $0x1  }
0x9f: {  	s19 =	simm.s32 $_scs_section_size  }
0xa0: {  	s6 =	simm.s32 $_size__tile_overlayer_lowered;
	s7 =	simm.s32 $_tile_overlayer_lowered  }
0xa1: {  	s22 =	simm.s32 $0x1BFF;
	s21 =	sshll.u32 s7, $0x1;
	s4 =	sadd.s32 s19, s18  }
0xa2: {  	s8 =	simm.s32 $0x0;
	s20 =	sshll.u32 s6, $0x1;
	s6 =	sadd.s32 s21, s4  }
0xa3: {  	[timem:s8], [sflag:s22] =	dma.local [hbm:s6], s20  }
0xa4: {  	_ =	swait.ge [sflag:s22], s20  }
0xa5: {  	s5 =	ssub.s32 $0x0, s20;
	[sflag:s22] =	ssyncset.done $0x0  }
0xa6: {  	[sflag:s22] =	ssyncadd.s32 s5;
	_ =	sdelay $0x1  }
0xa7: {  	s23 =	simm.s32 $0x1B8B  }
0xa8: {  	_ =	swait.ge [sflag:s23], $0x1  }
0xa9: {  	[sflag:s23] =	ssyncset.done $0x0  }
0xaa: {  	s25 =	simm.s32 $0x1B8E;
	s24 =	sld [smem:$0x3FFE];
	[sflag:s23] =	ssyncadd.s32 $0xFFFFFFFF  }
0xab: {  	s26 =	simm.s32 $execute0_lowered;
	[smem:$0x3FD2] =	sst s25  }
0xac: {  	s6 =	sshll.u32 s26, $0x1;
	_ =	strace $0x80000046;
	[dreg:$0x1] =	wrdreg $0xFFFFFFFF  }
0xad: {  	s28 =	simm.s32 $_size_execute0_lowered;
	s4 =	sadd.s32 s4, s6;
	[dreg:$0x0] =	wrdreg $0x0  }
0xae: {  	s6 =	sshll.u32 s28, $0x1;
	[dreg:$0x2] =	wrdreg s4  }
0xaf: {  	[dreg:$0x3] =	wrdreg s6  }
0xb0: {  	[dreg:$0x4] =	wrdreg $0xC0  }
0xb1: {  	_ =	task [dreg:s8], $0x5FFFF  }
0xb2: {  	[dreg:$0x1] =	wrdreg $0xFFFFFFFF  }
0xb3: {  	[dreg:$0x0] =	wrdreg $0x60  }
0xb4: {  	[dreg:$0x2] =	wrdreg s15  }
0xb5: {  	[dreg:$0x3] =	wrdreg s24  }
0xb6: {  	[dreg:$0x4] =	wrdreg s16  }
0xb7: {  	[dreg:$0x5] =	wrdreg $0x9  }
0xb8: {  	_ =	task.clear_ibuf [dreg:s8], $0x6FFFF;
	_ =	strace $0x90000046  }
0xb9: {  	s29 =	simm.s32 $0x9;
	_ =	strace $0x80000048  }
0xba: {  	_ =	swait.ge [sflag:s29], $0x1  }
0xbb: {  	[sflag:s29] =	ssyncadd.s32 $0xFFFFFFFF  }
0xbc: {  	_ =	strace $0x90000048  }
0xbd: {  	_ =	sfence  }
0xbe: {  	s30 =	sld [smem:$0x0];
	_ =	sdelay $0x2  }
0xbf: {  	s31 =	sshll.u32 s1, $0xD;
	s1 =	sshrl.u32 s1, $0x2  }
0xc0: {  	s3 =	sand.u32 $0x4000, s31;
	s1 =	sadd.s32 s1, s30  }
0xc1: {  	s0 =	sor.u32 s3, s0;
	s1 =	sshll.u32 s1, $0x11  }
0xc2: {  	s0 =	sor.u32 s1, s0  }
0xc3: {  	s0 =	sadd.s32 $0x8F2B, s0  }
0xc4: {  	[sflag:s0] =	ssyncadd.remote.s32 $0x1  }
0xc5: {  	_ =	sfence.sel $0xFFFF  }
0xc6: {  	[dreg:$0x0] =	wrdreg $0xFFFFFFFF;
	(pc) =	sbr.abs _section_cstart, $3  }
0xc7: {  	[dreg:$0x1] =	wrdreg $0xFFFFFFFF  }
0xc8: {  	_ =	task.clear_ibuf [dreg:s8], $0x2FFFF;
	_ =	strace $0x9FFFFFFF  }
0xc9: {  	(tm) =	ssettm $0x7FFFFFFF  }
tec
execute0_lowered:
.L_overlay_start_1:
0x0: {  	(tag) =	ssettag $0x1  }
0x1: {  	s1 =	rddreg [dreg:$0x0]  }
0x2: {  	s2 =	srdreg.scid;
	s4 =	rddreg [dreg:$0x1]  }
0x3: {  	s0 =	stileid.u32;
	s6 =	rddreg [dreg:$0x2]  }
0x4: {  	s3 =	simm.s32 $0x0;
	s9 =	simm.s32 $0x900;
	s10 =	simm.s32 $0x1100  }
0x5: {  	s11 =	simm.s32 $0x1900;
	s12 =	simm.s32 $0x2100;
	s13 =	simm.s32 $0x2900  }
0x6: {  	s14 =	simm.s32 $0x3100;
	s15 =	simm.s32 $0x3900;
	s16 =	simm.s32 $0x4100  }
0x7: {  	s17 =	simm.s32 $0x4900;
	s18 =	simm.s32 $0x5100;
	s19 =	simm.s32 $0x5900  }
0x8: {  	s20 =	simm.s32 $0x6100;
	s21 =	simm.s32 $0x6900;
	s22 =	simm.s32 $0x7100  }
0x9: {  	s23 =	simm.s32 $0x7900;
	s5 =	sand.u32 $0x1, s2;
	s30 =	sshll.u32 s0, $0x1  }
0xa: {  	s24 =	simm.s32 $0x8100;
	s25 =	simm.s32 $0x8900;
	s7 =	sor.u32 s5, s30  }
0xb: {  	s26 =	simm.s32 $0x1;
	s2 =	rddreg [dreg:$0x3];
	s8 =	smul.u32 $0x12, s7  }
0xc: {  	[smem:$0x7FF] =	sst s3;
	s5 =	ssub.s32 $0x2, s5;
	s7 =	smul.u32 $0x1200, s7  }
0xd: {  	v2 =	vlaneseq.u32;
	_ =	strace $0x80000047;
	s31 =	sshrl.u32 s5, $0x1;
	s4 =	sadd.s32 s8, s4  }
0xe: {  	vm0 =	vmmov $0xffff;
	v1 =	vshrl.u32 v2, $0x3;
	s8 =	ssub.s32 s5, s31;
	s5 =	sadd.s32 s6, s7;
	s7 =	simm.s32 $0x2  }
0xf: {  	v0 =	vand.u32 $0x7, v2;
	v2 =	vor.u32 $0x8, v2;
	v1 =	vmul.u32 $0x8, v1;
	s4 =	sadd.s32 $0x1800, s4;
	s6 =	smax.u32 s8, $0x1;
	s8 =	simm.s32 $0x100  }
.LBB2_1:
0x10: {  	[tilespmem:s3], [sflag:$0x2] =	stream.linear.gather [hbm4b:s4+s3], $0x90, $0x38;
	[tilespmem:$0x9100] =	vst v63  }
0x11: {  	_ =	swait.ge [sflag:s7], $0x90  }
0x12: {  	[sflag:s7] =	ssyncset.done $0x0  }
0x13: {  	[sflag:s7] =	ssyncadd.s32 $0xFFFFFF70  }
0x14: {  	v3 =	vld [tilespmem:$0x0];
	_ =	sdelay $0x4  }
0x15: {  	v4 =	vshll.u32 v3, $0x1  }
0x16: {  	v3 =	vand.u32 $0x7, v3;
	v4 =	vand.u32 $0xFFFFFFF0, v4  }
0x17: {  	v3 =	vor.u32 v3, v4  }
0x18: {  	v4 =	vperm.xlane v3, v0;
	_ =	sdelay $0x1  }
0x19: {  	v3 =	vperm.xlane v3, v2;
	v4 =	vadd.s32 v1, v4;
	_ =	sdelay $0x1  }
0x1a: {  	v3 =	vadd.s32 v1, v3;
	_ =	sdelay $0x2  }
0x1b: {  	[tilespmem:s8], [sflag:$0x1] =	stream.indirect_vreg.gather [hbm4b:s1+s3], $0x80, v4, vm0, $0xb8;
	[tilespmem:$0x9100] =	vst v63  }
0x1c: {  	_ = 	snop  }
0x1d: {  	[tilespmem:s9], [sflag:$0x1] =	stream.indirect_vreg.gather [hbm4b:s1+s3], $0x80, v3, vm0, $0xb8;
	[tilespmem:$0x9100] =	vst v63  }
0x1e: {  	v3 =	vld [tilespmem:$0x10];
	_ =	sdelay $0x4  }
0x1f: {  	v56 =	vshll.u32 v3, $0x1  }
0x20: {  	v3 =	vand.u32 $0x7, v3;
	v4 =	vand.u32 $0xFFFFFFF0, v56  }
0x21: {  	v3 =	vor.u32 v3, v4  }
0x22: {  	v4 =	vperm.xlane v3, v0;
	_ =	sdelay $0x1  }
0x23: {  	v3 =	vperm.xlane v3, v2;
	v4 =	vadd.s32 v1, v4;
	_ =	sdelay $0x1  }
0x24: {  	v3 =	vadd.s32 v1, v3;
	_ =	sdelay $0x2  }
0x25: {  	[tilespmem:s10], [sflag:$0x1] =	stream.indirect_vreg.gather [hbm4b:s1+s3], $0x80, v4, vm0, $0xb8;
	[tilespmem:$0x9100] =	vst v63  }
0x26: {  	_ = 	snop  }
0x27: {  	[tilespmem:s11], [sflag:$0x1] =	stream.indirect_vreg.gather [hbm4b:s1+s3], $0x80, v3, vm0, $0xb8;
	[tilespmem:$0x9100] =	vst v63  }
0x28: {  	v3 =	vld [tilespmem:$0x20];
	_ =	sdelay $0x4  }
0x29: {  	v57 =	vshll.u32 v3, $0x1  }
0x2a: {  	v3 =	vand.u32 $0x7, v3;
	v4 =	vand.u32 $0xFFFFFFF0, v57  }
0x2b: {  	v3 =	vor.u32 v3, v4  }
0x2c: {  	v4 =	vperm.xlane v3, v0;
	_ =	sdelay $0x1  }
0x2d: {  	v3 =	vperm.xlane v3, v2;
	v4 =	vadd.s32 v1, v4;
	_ =	sdelay $0x1  }
0x2e: {  	v3 =	vadd.s32 v1, v3;
	_ =	sdelay $0x2  }
0x2f: {  	[tilespmem:s12], [sflag:$0x1] =	stream.indirect_vreg.gather [hbm4b:s1+s3], $0x80, v4, vm0, $0xb8;
	[tilespmem:$0x9100] =	vst v63  }
0x30: {  	_ = 	snop  }
0x31: {  	[tilespmem:s13], [sflag:$0x1] =	stream.indirect_vreg.gather [hbm4b:s1+s3], $0x80, v3, vm0, $0xb8;
	[tilespmem:$0x9100] =	vst v63  }
0x32: {  	v3 =	vld [tilespmem:$0x30];
	_ =	sdelay $0x4  }
0x33: {  	v58 =	vshll.u32 v3, $0x1  }
0x34: {  	v3 =	vand.u32 $0x7, v3;
	v4 =	vand.u32 $0xFFFFFFF0, v58  }
0x35: {  	v3 =	vor.u32 v3, v4  }
0x36: {  	v4 =	vperm.xlane v3, v0;
	_ =	sdelay $0x1  }
0x37: {  	v3 =	vperm.xlane v3, v2;
	v4 =	vadd.s32 v1, v4;
	_ =	sdelay $0x1  }
0x38: {  	v3 =	vadd.s32 v1, v3;
	_ =	sdelay $0x2  }
0x39: {  	[tilespmem:s14], [sflag:$0x1] =	stream.indirect_vreg.gather [hbm4b:s1+s3], $0x80, v4, vm0, $0xb8;
	[tilespmem:$0x9100] =	vst v63  }
0x3a: {  	_ = 	snop  }
0x3b: {  	[tilespmem:s15], [sflag:$0x1] =	stream.indirect_vreg.gather [hbm4b:s1+s3], $0x80, v3, vm0, $0xb8;
	[tilespmem:$0x9100] =	vst v63  }
0x3c: {  	v3 =	vld [tilespmem:$0x40];
	_ =	sdelay $0x4  }
0x3d: {  	v59 =	vshll.u32 v3, $0x1  }
0x3e: {  	v3 =	vand.u32 $0x7, v3;
	v4 =	vand.u32 $0xFFFFFFF0, v59  }
0x3f: {  	v3 =	vor.u32 v3, v4  }
0x40: {  	v4 =	vperm.xlane v3, v0;
	_ =	sdelay $0x1  }
0x41: {  	v3 =	vperm.xlane v3, v2;
	v4 =	vadd.s32 v1, v4;
	_ =	sdelay $0x1  }
0x42: {  	v3 =	vadd.s32 v1, v3;
	_ =	sdelay $0x2  }
0x43: {  	[tilespmem:s16], [sflag:$0x1] =	stream.indirect_vreg.gather [hbm4b:s1+s3], $0x80, v4, vm0, $0xb8;
	[tilespmem:$0x9100] =	vst v63  }
0x44: {  	_ = 	snop  }
0x45: {  	[tilespmem:s17], [sflag:$0x1] =	stream.indirect_vreg.gather [hbm4b:s1+s3], $0x80, v3, vm0, $0xb8;
	[tilespmem:$0x9100] =	vst v63  }
0x46: {  	v3 =	vld [tilespmem:$0x50];
	_ =	sdelay $0x4  }
0x47: {  	v60 =	vshll.u32 v3, $0x1  }
0x48: {  	v3 =	vand.u32 $0x7, v3;
	v4 =	vand.u32 $0xFFFFFFF0, v60  }
0x49: {  	v3 =	vor.u32 v3, v4  }
0x4a: {  	v4 =	vperm.xlane v3, v0;
	_ =	sdelay $0x1  }
0x4b: {  	v3 =	vperm.xlane v3, v2;
	v4 =	vadd.s32 v1, v4;
	_ =	sdelay $0x1  }
0x4c: {  	v3 =	vadd.s32 v1, v3;
	_ =	sdelay $0x2  }
0x4d: {  	[tilespmem:s18], [sflag:$0x1] =	stream.indirect_vreg.gather [hbm4b:s1+s3], $0x80, v4, vm0, $0xb8;
	[tilespmem:$0x9100] =	vst v63  }
0x4e: {  	_ = 	snop  }
0x4f: {  	[tilespmem:s19], [sflag:$0x1] =	stream.indirect_vreg.gather [hbm4b:s1+s3], $0x80, v3, vm0, $0xb8;
	[tilespmem:$0x9100] =	vst v63  }
0x50: {  	v3 =	vld [tilespmem:$0x60];
	_ =	sdelay $0x4  }
0x51: {  	v61 =	vshll.u32 v3, $0x1  }
0x52: {  	v3 =	vand.u32 $0x7, v3;
	v4 =	vand.u32 $0xFFFFFFF0, v61  }
0x53: {  	v3 =	vor.u32 v3, v4  }
0x54: {  	v4 =	vperm.xlane v3, v0;
	_ =	sdelay $0x1  }
0x55: {  	v3 =	vperm.xlane v3, v2;
	v4 =	vadd.s32 v1, v4;
	_ =	sdelay $0x1  }
0x56: {  	v3 =	vadd.s32 v1, v3;
	_ =	sdelay $0x2  }
0x57: {  	[tilespmem:s20], [sflag:$0x1] =	stream.indirect_vreg.gather [hbm4b:s1+s3], $0x80, v4, vm0, $0xb8;
	[tilespmem:$0x9100] =	vst v63  }
0x58: {  	_ = 	snop  }
0x59: {  	[tilespmem:s21], [sflag:$0x1] =	stream.indirect_vreg.gather [hbm4b:s1+s3], $0x80, v3, vm0, $0xb8;
	[tilespmem:$0x9100] =	vst v63  }
0x5a: {  	v3 =	vld [tilespmem:$0x70];
	_ =	sdelay $0x4  }
0x5b: {  	v62 =	vshll.u32 v3, $0x1  }
0x5c: {  	v3 =	vand.u32 $0x7, v3;
	v4 =	vand.u32 $0xFFFFFFF0, v62  }
0x5d: {  	v3 =	vor.u32 v3, v4  }
0x5e: {  	v4 =	vperm.xlane v3, v0;
	_ =	sdelay $0x1  }
0x5f: {  	v3 =	vperm.xlane v3, v2;
	v4 =	vadd.s32 v1, v4;
	_ =	sdelay $0x1  }
0x60: {  	v3 =	vadd.s32 v1, v3;
	_ =	sdelay $0x2  }
0x61: {  	[tilespmem:s22], [sflag:$0x1] =	stream.indirect_vreg.gather [hbm4b:s1+s3], $0x80, v4, vm0, $0xb8;
	[tilespmem:$0x9100] =	vst v63  }
0x62: {  	_ = 	snop  }
0x63: {  	[tilespmem:s23], [sflag:$0x1] =	stream.indirect_vreg.gather [hbm4b:s1+s3], $0x80, v3, vm0, $0xb8;
	[tilespmem:$0x9100] =	vst v63  }
0x64: {  	v3 =	vld [tilespmem:$0x80];
	_ =	sdelay $0x4  }
0x65: {  	v63 =	vshll.u32 v3, $0x1  }
0x66: {  	v3 =	vand.u32 $0x7, v3;
	v4 =	vand.u32 $0xFFFFFFF0, v63  }
0x67: {  	v3 =	vor.u32 v3, v4  }
0x68: {  	v4 =	vperm.xlane v3, v0;
	_ =	sdelay $0x1  }
0x69: {  	v3 =	vperm.xlane v3, v2;
	v4 =	vadd.s32 v1, v4;
	_ =	sdelay $0x1  }
0x6a: {  	v3 =	vadd.s32 v1, v3;
	_ =	sdelay $0x2  }
0x6b: {  	[tilespmem:s24], [sflag:$0x1] =	stream.indirect_vreg.gather [hbm4b:s1+s3], $0x80, v4, vm0, $0xb8;
	[tilespmem:$0x9100] =	vst v63  }
0x6c: {  	_ = 	snop  }
0x6d: {  	[tilespmem:s25], [sflag:$0x1] =	stream.indirect_vreg.gather [hbm4b:s1+s3], $0x80, v3, vm0, $0xb8;
	[tilespmem:$0x9100] =	vst v63  }
0x6e: {  	_ =	swait.ge [sflag:s26], $0x9000  }
0x6f: {  	p0 =	sne.s32 s6, $0x1;
	[sflag:s26] =	ssyncset.done $0x0  }
.Ltmp0:
0x70: {  	[sflag:s26] =	ssyncadd.s32 $0xFFFF7000;
	(pc) =	sbr.rel @p0 .LBB2_1-.Ltmp0, $4  }
0x71: {  	[hbm4b:s5+s3] =	stream.linear.scatter [tilespmem:s8], [sflag:$0x2], $0x9000, $0x38;
	[tilespmem:$0x9100] =	vst v63  }
0x72: {  	_ =	swait.ge [sflag:s7], $0x9000  }
0x73: {  	[sflag:s7] =	ssyncset.done $0x0  }
0x74: {  	s6 =	sadd.s32 $0xFFFFFFFF, s6;
	[sflag:s7] =	ssyncadd.s32 $0xFFFF7000  }
0x75: {  	_ =	sfence.sel $0x180000  }
0x76: {  	[bflag:$0x0] =	sbarrier.arrive $0xFFFF  }
0x77: {  	p0 =	sne.s32 s0, $0x0;
	_ =	strace $0x90000047  }
0x78: {  	s0 =	sadd.s32 @!p0 $0x100000, s2;
	[bflag:$0x2] =	sbarrier.arrive $0xFFFF  }
0x79: {  	[sflag:s0] =	ssyncadd.tile.s32 @!p0 $0x1;
	_ =	shalt  }
.Lfunc_end2:
_tile_overlayer_lowered:
.L_overlay_start_2:
0x7a: {  	(tag) =	ssettag $0x2  }
0x7b: {  	s0 =	rddreg [dreg:$0x0];
	s2 =	stileid.u32  }
0x7c: {  	s1 =	rddreg [dreg:$0x1];
	p0 =	sne.s32 s2, $0x0  }
0x7d: {  	s3 =	rddreg [dreg:$0x2];
	[bflag:$0x3] =	sbarrier.arrive $0xFFFF;
	s2 =	simm.s32 @!p0 $0x1C02  }
0x7e: {  	[timem:s3], [sflag:s2] =	dma.local @!p0 [hbm:s0], s1  }
0x7f: {  	s0 =	simm.s32 @!p0 $0x2  }
0x80: {  	_ =	swait.ge @!p0 [sflag:s0], s1  }
0x81: {  	s1 =	ssub.s32 @!p0 $0x0, s1;
	[sflag:s0] =	ssyncset.done @!p0 $0x0  }
0x82: {  	[sflag:s0] =	ssyncadd.s32 @!p0 s1  }
0x83: {  	[bflag:$0x3] =	sbarrier.arrive $0xFFFF  }
0x84: {  	_ =	shalt  }

</sc_bundles>
